<compile_context>
chip_gen: v7x
topology: tpu7x:2x2x1
jax: 0.10.2.dev20260603
libtpu: 0.0.44.dev20260713+nightly
codegen_flags: <defaults>
</compile_context>

<pallas_src>
import functools

import jax
import jax.numpy as jnp
from jax import lax
from jax.experimental import pallas as pl
from jax.experimental.pallas import tpu as pltpu
from jax.experimental.pallas import tpu_sc as plsc

_M = 8
_K = 1024
_D = 1024
_Dp = _D // _M
_B = 4096
_BLK = 512


def _rownorm_s8tree(sq):
    v = sq.reshape(sq.shape[:-1] + (16, 8))
    acc = v[..., 0, :]
    for i in range(1, 16):
        acc = acc + v[..., i, :]
    t1 = acc[..., 0:4] + acc[..., 4:8]
    t2 = t1[..., 0:2] + t1[..., 2:4]
    return t2[..., 0] + t2[..., 1]


def _label_body(x_ref, c2_ref, csq_ref, xsq_ref, lbl_ref):
    labels = []
    for m in range(_M):
        xm = x_ref[:, m * _Dp:(m + 1) * _Dp]
        c2m = c2_ref[m]
        s2 = lax.dot_general(c2m, xm, (((1,), (1,)), ((), ())),
                             preferred_element_type=jnp.float32)
        dist = (csq_ref[m][:, None] - s2) + xsq_ref[m][None, :]
        sq = jnp.sqrt(dist)
        sqb = lax.bitcast_convert_type(sq, jnp.int32)
        colmin = jnp.min(sqb, axis=0, keepdims=True)
        iota = lax.broadcasted_iota(jnp.int32, (_K, _BLK), 0)
        lbl = jnp.min(jnp.where(sqb == colmin, iota, _K), axis=0)
        labels.append(lbl)
    lbl_ref[...] = jnp.stack(labels, axis=0)


_NC = 2
_NW = 32
_ROWS = _B * _M
_BPW = _ROWS // _NW
_CHUNK = 512


def _gather_body(table_hbm, idx_hbm, out_xp, out_xpm, idx_v, rows_v, sem):
    wid = lax.axis_index("s") * _NC + lax.axis_index("c")
    base = wid * _BPW
    nc = _BPW // _CHUNK
    for c in range(nc):
        start = base + c * _CHUNK
        mc = start // _B
        b0 = start % _B
        pltpu.sync_copy(idx_hbm.at[pl.ds(start, _CHUNK)], idx_v)
        pltpu.async_copy(table_hbm.at[idx_v], rows_v, sem).wait()
        pltpu.sync_copy(rows_v, out_xp.at[pl.ds(b0, _CHUNK), mc])
        pltpu.sync_copy(rows_v, out_xpm.at[pl.ds(b0, _CHUNK),
                                           pl.ds(mc * _Dp, _Dp)])


_sc_gather = functools.partial(
    pl.kernel,
    out_type=[
        jax.ShapeDtypeStruct((_B, _M, _Dp), jnp.float32),
        jax.ShapeDtypeStruct((_B, _D), jnp.float32),
    ],
    mesh=plsc.VectorSubcoreMesh(core_axis_name="c", subcore_axis_name="s"),
    scratch_types=[
        pltpu.VMEM((_CHUNK,), jnp.int32),
        pltpu.VMEM((_CHUNK, _Dp), jnp.float32),
        pltpu.SemaphoreType.DMA,
    ],
)(_gather_body)


def kernel(X, m, center, weight):
    Xs = lax.stop_gradient(X)
    xsq = _rownorm_s8tree((Xs * Xs).reshape(_B, _M, _Dp)).T
    csq = _rownorm_s8tree(center * center)
    center2 = center + center

    grid = (_B // _BLK,)
    lbl = pl.pallas_call(
        _label_body,
        grid=grid,
        in_specs=[
            pl.BlockSpec((_BLK, _D), lambda i: (i, 0)),
            pl.BlockSpec((_M, _K, _Dp), lambda i: (0, 0, 0)),
            pl.BlockSpec((_M, _K), lambda i: (0, 0)),
            pl.BlockSpec((_M, _BLK), lambda i: (0, i)),
        ],
        out_specs=pl.BlockSpec((_M, _BLK), lambda i: (0, i)),
        out_shape=jax.ShapeDtypeStruct((_M, _B), jnp.int32),
        compiler_params=pltpu.CompilerParams(
            dimension_semantics=("parallel",)),
    )(X, center2, csq, xsq)

    flat_idx = (lbl + (jnp.arange(_M, dtype=jnp.int32) * _K)[:, None]
                ).reshape(_ROWS)

    cu = lax.bitcast_convert_type(center, jnp.uint32)
    r = cu + jnp.uint32(0x7FFF) + ((cu >> 16) & jnp.uint32(1))
    table = lax.bitcast_convert_type(r & jnp.uint32(0xFFFF0000), jnp.float32)
    X_p, X_p_m = _sc_gather(table.reshape(_M * _K, _Dp), flat_idx)

    label = lbl.T.reshape(_B, _M, 1)
    return (X_p, X_p_m, center, label, weight)

# --- scband reference (transcript-rebuilt; emitter-appended) ---
"""Pipeline reference for scband-kd-encoding-11665131176024 (READ-ONLY COPY).

The authoritative reference and input builder live on the scoring server;
editing this copy changes nothing except your own understanding.
"""

import jax, jax.numpy as jnp
import numpy as np

M = 8
K = 1024
D = 1024
T = 1.0
Dp = D // M
B = 4096


def softargmax(logits, T):
    y_soft = jax.nn.softmax(logits / T, axis=-1)
    index = jnp.argmax(y_soft, axis=-1)
    y_hard = jax.nn.one_hot(index, logits.shape[-1], dtype=logits.dtype)
    result = y_hard - jax.lax.stop_gradient(y_soft) + y_soft
    return result, index[..., None]


def setup_inputs(seed: int = 0) -> dict:
    key = jax.random.key(seed)
    k1, k2, k3 = jax.random.split(key, 3)
    X = jax.random.normal(k1, (B, D), dtype=jnp.float32)
    center = jax.random.normal(k2, (M, K, Dp), dtype=jnp.float32) * 0.01
    weight = jax.random.normal(k3, (D, D), dtype=jnp.float32) * 0.01
    return {"X": X, "m": 0, "center": center, "weight": weight}


def reference(X, m, center, weight):
    Bsz = X.shape[0]
    # Subspace: view [B, D] -> [B, M, D/M]
    x = X.reshape(Bsz, M, -1)
    # MKmeansNN forward
    x1 = jax.lax.stop_gradient(x).transpose(1, 2, 0)  # [M, Dp, B]
    x_sqlen = jnp.sum(x1 * x1, axis=1)  # [M, B]
    dot = jnp.einsum('mkd,mdb->mkb', center, x1)  # [M, K, B]
    c_sqlen = jnp.sum(center * center, axis=-1)  # [M, K]
    dist = c_sqlen[:, :, None] - 2.0 * dot + x_sqlen[:, None, :]  # [M, K, B]
    dist = -jnp.sqrt(dist.transpose(2, 0, 1))  # [B, M, K]
    assign, label = softargmax(dist, T)  # assign [B, M, K], label [B, M, 1]
    X_p = jnp.einsum('mbk,mkd->mbd', assign.transpose(1, 0, 2), center)  # [M, B, Dp]
    X_p = X_p.transpose(1, 0, 2)  # [B, M, Dp]
    # KD_Encoding concat loop: permute to [M, B, Dp], concat along feature dim
    Xpm = X_p.transpose(1, 0, 2)  # [M, B, Dp]
    X_p_m = jnp.concatenate([Xpm[i] for i in range(M)], axis=1)  # [B, D]
    return (X_p, X_p_m, center, label, weight)

if __name__ == "__main__":
    import jax
    _d = setup_inputs()
    print(jax.jit(kernel)(*tuple(_d.values())))

</pallas_src>

<mosaic_0001>
#map = affine_map<(d0, d1) -> (0, 0)>
#map1 = affine_map<(d0, d1) -> (0)>
#map2 = affine_map<(d0, d1) -> (0, 0, 0)>
module attributes {stable_mosaic.version = 14 : i64} {
  func.func @_gather_body(%arg0: i32, %arg1: i32, %arg2: memref<8192x128xf32, #tpu.memory_space<hbm>>, %arg3: memref<32768xi32, #tpu.memory_space<hbm>>, %arg4: memref<4096x8x128xf32, #tpu.memory_space<hbm>>, %arg5: memref<4096x1024xf32, #tpu.memory_space<hbm>>, %arg6: memref<512xi32, #tpu.memory_space<vmem>>, %arg7: memref<512x128xf32, #tpu.memory_space<vmem>>, %arg8: memref<!tpu.dma_semaphore, #tpu.memory_space<semaphore_mem>>) attributes {dimension_semantics = [#tpu.dimension_semantics<core_parallel>, #tpu.dimension_semantics<subcore_parallel>], iteration_bounds = array<i64: 2, 16>, scalar_prefetch = 0 : i64, scratch_operands = 3 : i64, tpu.core_type = #tpu.core_type<sc_vector_subcore>, window_params = [{transform_indices = #map}, {transform_indices = #map1}, {transform_indices = #map2}, {transform_indices = #map}]} {
    %mul3A = arith.constant 2 : i32
    %mul3A_0 = arith.muli %arg1, %mul3A : i32
    %add3A = arith.addi %mul3A_0, %arg0 : i32
    %mul3A_1 = arith.constant 1024 : i32
    %mul3A_2 = arith.muli %add3A, %mul3A_1 : i32
    %add3A_3 = arith.constant 0 : i32
    %add3A_4 = arith.addi %mul3A_2, %add3A_3 : i32
    %jit3A = arith.constant 4096 : i32
    %div3A = arith.divsi %add3A_4, %jit3A : i32
    %sign3A = arith.constant 0 : i32
    %sign3A_5 = arith.cmpi sgt, %add3A_4, %sign3A : i32
    %sign3A_6 = arith.extui %sign3A_5 : i1 to i32
    %sign3A_7 = arith.constant 0 : i32
    %sign3A_8 = arith.cmpi slt, %add3A_4, %sign3A_7 : i32
    %sign3A_9 = arith.extui %sign3A_8 : i1 to i32
    %sign3A_10 = arith.subi %sign3A_6, %sign3A_9 : i32
    %sign3A_11 = arith.constant 0 : i32
    %sign3A_12 = arith.cmpi sgt, %jit3A, %sign3A_11 : i32
    %sign3A_13 = arith.extui %sign3A_12 : i1 to i32
    %sign3A_14 = arith.constant 0 : i32
    %sign3A_15 = arith.cmpi slt, %jit3A, %sign3A_14 : i32
    %sign3A_16 = arith.extui %sign3A_15 : i1 to i32
    %sign3A_17 = arith.subi %sign3A_13, %sign3A_16 : i32
    %ne3A = arith.cmpi ne, %sign3A_10, %sign3A_17 : i32
    %rem3A = arith.remsi %add3A_4, %jit3A : i32
    %ne3A_18 = arith.constant 0 : i32
    %ne3A_19 = arith.cmpi ne, %rem3A, %ne3A_18 : i32
    %and3A = arith.andi %ne3A, %ne3A_19 : i1
    %sub3A = arith.constant 1 : i32
    %sub3A_20 = arith.subi %div3A, %sub3A : i32
    %select_n3A = arith.select %and3A, %sub3A_20, %div3A : i32
    %jit3A_21 = arith.constant 4096 : i32
    %eq3A = arith.constant 0 : i32
    %eq3A_22 = arith.cmpi eq, %jit3A_21, %eq3A : i32
    %jit3A_23 = arith.constant 1 : i32
    %select_n3A_24 = arith.select %eq3A_22, %jit3A_23, %jit3A_21 : i32
    %rem3A_25 = arith.remsi %add3A_4, %select_n3A_24 : i32
    %ne3A_26 = arith.constant 0 : i32
    %ne3A_27 = arith.cmpi ne, %rem3A_25, %ne3A_26 : i32
    %lt3A = arith.constant 0 : i32
    %lt3A_28 = arith.cmpi slt, %rem3A_25, %lt3A : i32
    %lt3A_29 = arith.constant 0 : i32
    %lt3A_30 = arith.cmpi slt, %select_n3A_24, %lt3A_29 : i32
    %ne3A_31 = arith.xori %lt3A_28, %lt3A_30 : i1
    %and3A_32 = arith.andi %ne3A_31, %ne3A_27 : i1
    %add3A_33 = arith.addi %rem3A_25, %select_n3A_24 : i32
    %select_n3A_34 = arith.select %and3A_32, %add3A_33, %rem3A_25 : i32
    "tpu.region"() ({
      %run_scoped3A = tpu.sem_alloc : memref<!tpu.dma_semaphore, #tpu.memory_space<semaphore_mem>>
      %dma_start3A_91 = tpu.memref_slice %arg3[%add3A_4] : memref<32768xi32, #tpu.memory_space<hbm>> -> memref<512xi32, #tpu.memory_space<hbm>>
      %dma_start3A_92 = tpu.memref_slice %arg3[%add3A_4] : memref<32768xi32, #tpu.memory_space<hbm>> -> memref<512xi32, #tpu.memory_space<hbm>>
      tpu.enqueue_dma source(%dma_start3A_92 : memref<512xi32, #tpu.memory_space<hbm>>) target(%arg6 : memref<512xi32, #tpu.memory_space<vmem>>) target_semaphore(%run_scoped3A : memref<!tpu.dma_semaphore, #tpu.memory_space<semaphore_mem>>)
      %dma_wait3A_93 = tpu.memref_slice %arg3[%add3A_4] : memref<32768xi32, #tpu.memory_space<hbm>> -> memref<512xi32, #tpu.memory_space<hbm>>
      %dma_wait3A_94 = tpu.memref_slice %arg3[%add3A_4] : memref<32768xi32, #tpu.memory_space<hbm>> -> memref<512xi32, #tpu.memory_space<hbm>>
      tpu.wait_dma2 semaphore(%run_scoped3A : memref<!tpu.dma_semaphore, #tpu.memory_space<semaphore_mem>>) src(%dma_wait3A_94 : memref<512xi32, #tpu.memory_space<hbm>>) dst(%arg6 : memref<512xi32, #tpu.memory_space<vmem>>)
      tpu.yield
    }) : () -> ()
    %dma_start3A = arith.constant 0 : i32
    %dma_start3A_35 = arith.constant 0 : i32
    %dma_start3A_36 = tpu.memref_slice %arg2[%dma_start3A, %dma_start3A_35] : memref<8192x128xf32, #tpu.memory_space<hbm>> -> memref<8192x128xf32, #tpu.memory_space<hbm>>
    tpu.enqueue_indirect_dma source(%dma_start3A_36 : memref<8192x128xf32, #tpu.memory_space<hbm>>) target(%arg7 : memref<512x128xf32, #tpu.memory_space<vmem>>) offsets(%arg6 : memref<512xi32, #tpu.memory_space<vmem>>) semaphore(%arg8 : memref<!tpu.dma_semaphore, #tpu.memory_space<semaphore_mem>>)
    %dma_wait3A = arith.constant 0 : i32
    %dma_wait3A_37 = arith.constant 0 : i32
    %dma_wait3A_38 = tpu.memref_slice %arg2[%dma_wait3A, %dma_wait3A_37] : memref<8192x128xf32, #tpu.memory_space<hbm>> -> memref<8192x128xf32, #tpu.memory_space<hbm>>
    tpu.wait_indirect_dma semaphore(%arg8 : memref<!tpu.dma_semaphore, #tpu.memory_space<semaphore_mem>>) src(%dma_wait3A_38 : memref<8192x128xf32, #tpu.memory_space<hbm>>) dst(%arg7 : memref<512x128xf32, #tpu.memory_space<vmem>>)
    "tpu.region"() ({
      %run_scoped3A = tpu.sem_alloc : memref<!tpu.dma_semaphore, #tpu.memory_space<semaphore_mem>>
      %dma_start3A_91 = arith.constant 0 : i32
      %dma_start3A_92 = tpu.memref_slice %arg4[%select_n3A_34, %select_n3A, %dma_start3A_91] : memref<4096x8x128xf32, #tpu.memory_space<hbm>> -> memref<512x1x128xf32, #tpu.memory_space<hbm>>
      %dma_start3A_93 = tpu.memref_squeeze %dma_start3A_92 : memref<512x1x128xf32, #tpu.memory_space<hbm>> -> memref<512x128xf32, #tpu.memory_space<hbm>>
      %dma_start3A_94 = arith.constant 0 : i32
      %dma_start3A_95 = tpu.memref_slice %arg4[%select_n3A_34, %select_n3A, %dma_start3A_94] : memref<4096x8x128xf32, #tpu.memory_space<hbm>> -> memref<512x1x128xf32, #tpu.memory_space<hbm>>
      %dma_start3A_96 = tpu.memref_squeeze %dma_start3A_95 : memref<512x1x128xf32, #tpu.memory_space<hbm>> -> memref<512x128xf32, #tpu.memory_space<hbm>>
      tpu.enqueue_dma source(%arg7 : memref<512x128xf32, #tpu.memory_space<vmem>>) target(%dma_start3A_96 : memref<512x128xf32, #tpu.memory_space<hbm>>) target_semaphore(%run_scoped3A : memref<!tpu.dma_semaphore, #tpu.memory_space<semaphore_mem>>)
      %dma_wait3A_97 = arith.constant 0 : i32
      %dma_wait3A_98 = tpu.memref_slice %arg4[%select_n3A_34, %select_n3A, %dma_wait3A_97] : memref<4096x8x128xf32, #tpu.memory_space<hbm>> -> memref<512x1x128xf32, #tpu.memory_space<hbm>>
      %dma_wait3A_99 = tpu.memref_squeeze %dma_wait3A_98 : memref<512x1x128xf32, #tpu.memory_space<hbm>> -> memref<512x128xf32, #tpu.memory_space<hbm>>
      %dma_wait3A_100 = arith.constant 0 : i32
      %dma_wait3A_101 = tpu.memref_slice %arg4[%select_n3A_34, %select_n3A, %dma_wait3A_100] : memref<4096x8x128xf32, #tpu.memory_space<hbm>> -> memref<512x1x128xf32, #tpu.memory_space<hbm>>
      %dma_wait3A_102 = tpu.memref_squeeze %dma_wait3A_101 : memref<512x1x128xf32, #tpu.memory_space<hbm>> -> memref<512x128xf32, #tpu.memory_space<hbm>>
      tpu.wait_dma2 semaphore(%run_scoped3A : memref<!tpu.dma_semaphore, #tpu.memory_space<semaphore_mem>>) src(%arg7 : memref<512x128xf32, #tpu.memory_space<vmem>>) dst(%dma_wait3A_102 : memref<512x128xf32, #tpu.memory_space<hbm>>)
      tpu.yield
    }) : () -> ()
    %mul3A_39 = arith.constant 128 : i32
    %mul3A_40 = arith.muli %select_n3A, %mul3A_39 : i32
    "tpu.region"() ({
      %run_scoped3A = tpu.sem_alloc : memref<!tpu.dma_semaphore, #tpu.memory_space<semaphore_mem>>
      %dma_start3A_91 = tpu.memref_slice %arg5[%select_n3A_34, %mul3A_40] : memref<4096x1024xf32, #tpu.memory_space<hbm>> -> memref<512x128xf32, #tpu.memory_space<hbm>>
      %dma_start3A_92 = tpu.memref_slice %arg5[%select_n3A_34, %mul3A_40] : memref<4096x1024xf32, #tpu.memory_space<hbm>> -> memref<512x128xf32, #tpu.memory_space<hbm>>
      tpu.enqueue_dma source(%arg7 : memref<512x128xf32, #tpu.memory_space<vmem>>) target(%dma_start3A_92 : memref<512x128xf32, #tpu.memory_space<hbm>>) target_semaphore(%run_scoped3A : memref<!tpu.dma_semaphore, #tpu.memory_space<semaphore_mem>>)
      %dma_wait3A_93 = tpu.memref_slice %arg5[%select_n3A_34, %mul3A_40] : memref<4096x1024xf32, #tpu.memory_space<hbm>> -> memref<512x128xf32, #tpu.memory_space<hbm>>
      %dma_wait3A_94 = tpu.memref_slice %arg5[%select_n3A_34, %mul3A_40] : memref<4096x1024xf32, #tpu.memory_space<hbm>> -> memref<512x128xf32, #tpu.memory_space<hbm>>
      tpu.wait_dma2 semaphore(%run_scoped3A : memref<!tpu.dma_semaphore, #tpu.memory_space<semaphore_mem>>) src(%arg7 : memref<512x128xf32, #tpu.memory_space<vmem>>) dst(%dma_wait3A_94 : memref<512x128xf32, #tpu.memory_space<hbm>>)
      tpu.yield
    }) : () -> ()
    %add3A_41 = arith.constant 512 : i32
    %add3A_42 = arith.addi %mul3A_2, %add3A_41 : i32
    %jit3A_43 = arith.constant 4096 : i32
    %div3A_44 = arith.divsi %add3A_42, %jit3A_43 : i32
    %sign3A_45 = arith.constant 0 : i32
    %sign3A_46 = arith.cmpi sgt, %add3A_42, %sign3A_45 : i32
    %sign3A_47 = arith.extui %sign3A_46 : i1 to i32
    %sign3A_48 = arith.constant 0 : i32
    %sign3A_49 = arith.cmpi slt, %add3A_42, %sign3A_48 : i32
    %sign3A_50 = arith.extui %sign3A_49 : i1 to i32
    %sign3A_51 = arith.subi %sign3A_47, %sign3A_50 : i32
    %sign3A_52 = arith.constant 0 : i32
    %sign3A_53 = arith.cmpi sgt, %jit3A_43, %sign3A_52 : i32
    %sign3A_54 = arith.extui %sign3A_53 : i1 to i32
    %sign3A_55 = arith.constant 0 : i32
    %sign3A_56 = arith.cmpi slt, %jit3A_43, %sign3A_55 : i32
    %sign3A_57 = arith.extui %sign3A_56 : i1 to i32
    %sign3A_58 = arith.subi %sign3A_54, %sign3A_57 : i32
    %ne3A_59 = arith.cmpi ne, %sign3A_51, %sign3A_58 : i32
    %rem3A_60 = arith.remsi %add3A_42, %jit3A_43 : i32
    %ne3A_61 = arith.constant 0 : i32
    %ne3A_62 = arith.cmpi ne, %rem3A_60, %ne3A_61 : i32
    %and3A_63 = arith.andi %ne3A_59, %ne3A_62 : i1
    %sub3A_64 = arith.constant 1 : i32
    %sub3A_65 = arith.subi %div3A_44, %sub3A_64 : i32
    %select_n3A_66 = arith.select %and3A_63, %sub3A_65, %div3A_44 : i32
    %jit3A_67 = arith.constant 4096 : i32
    %eq3A_68 = arith.constant 0 : i32
    %eq3A_69 = arith.cmpi eq, %jit3A_67, %eq3A_68 : i32
    %jit3A_70 = arith.constant 1 : i32
    %select_n3A_71 = arith.select %eq3A_69, %jit3A_70, %jit3A_67 : i32
    %rem3A_72 = arith.remsi %add3A_42, %select_n3A_71 : i32
    %ne3A_73 = arith.constant 0 : i32
    %ne3A_74 = arith.cmpi ne, %rem3A_72, %ne3A_73 : i32
    %lt3A_75 = arith.constant 0 : i32
    %lt3A_76 = arith.cmpi slt, %rem3A_72, %lt3A_75 : i32
    %lt3A_77 = arith.constant 0 : i32
    %lt3A_78 = arith.cmpi slt, %select_n3A_71, %lt3A_77 : i32
    %ne3A_79 = arith.xori %lt3A_76, %lt3A_78 : i1
    %and3A_80 = arith.andi %ne3A_79, %ne3A_74 : i1
    %add3A_81 = arith.addi %rem3A_72, %select_n3A_71 : i32
    %select_n3A_82 = arith.select %and3A_80, %add3A_81, %rem3A_72 : i32
    "tpu.region"() ({
      %run_scoped3A = tpu.sem_alloc : memref<!tpu.dma_semaphore, #tpu.memory_space<semaphore_mem>>
      %dma_start3A_91 = tpu.memref_slice %arg3[%add3A_42] : memref<32768xi32, #tpu.memory_space<hbm>> -> memref<512xi32, #tpu.memory_space<hbm>>
      %dma_start3A_92 = tpu.memref_slice %arg3[%add3A_42] : memref<32768xi32, #tpu.memory_space<hbm>> -> memref<512xi32, #tpu.memory_space<hbm>>
      tpu.enqueue_dma source(%dma_start3A_92 : memref<512xi32, #tpu.memory_space<hbm>>) target(%arg6 : memref<512xi32, #tpu.memory_space<vmem>>) target_semaphore(%run_scoped3A : memref<!tpu.dma_semaphore, #tpu.memory_space<semaphore_mem>>)
      %dma_wait3A_93 = tpu.memref_slice %arg3[%add3A_42] : memref<32768xi32, #tpu.memory_space<hbm>> -> memref<512xi32, #tpu.memory_space<hbm>>
      %dma_wait3A_94 = tpu.memref_slice %arg3[%add3A_42] : memref<32768xi32, #tpu.memory_space<hbm>> -> memref<512xi32, #tpu.memory_space<hbm>>
      tpu.wait_dma2 semaphore(%run_scoped3A : memref<!tpu.dma_semaphore, #tpu.memory_space<semaphore_mem>>) src(%dma_wait3A_94 : memref<512xi32, #tpu.memory_space<hbm>>) dst(%arg6 : memref<512xi32, #tpu.memory_space<vmem>>)
      tpu.yield
    }) : () -> ()
    %dma_start3A_83 = arith.constant 0 : i32
    %dma_start3A_84 = arith.constant 0 : i32
    %dma_start3A_85 = tpu.memref_slice %arg2[%dma_start3A_83, %dma_start3A_84] : memref<8192x128xf32, #tpu.memory_space<hbm>> -> memref<8192x128xf32, #tpu.memory_space<hbm>>
    tpu.enqueue_indirect_dma source(%dma_start3A_85 : memref<8192x128xf32, #tpu.memory_space<hbm>>) target(%arg7 : memref<512x128xf32, #tpu.memory_space<vmem>>) offsets(%arg6 : memref<512xi32, #tpu.memory_space<vmem>>) semaphore(%arg8 : memref<!tpu.dma_semaphore, #tpu.memory_space<semaphore_mem>>)
    %dma_wait3A_86 = arith.constant 0 : i32
    %dma_wait3A_87 = arith.constant 0 : i32
    %dma_wait3A_88 = tpu.memref_slice %arg2[%dma_wait3A_86, %dma_wait3A_87] : memref<8192x128xf32, #tpu.memory_space<hbm>> -> memref<8192x128xf32, #tpu.memory_space<hbm>>
    tpu.wait_indirect_dma semaphore(%arg8 : memref<!tpu.dma_semaphore, #tpu.memory_space<semaphore_mem>>) src(%dma_wait3A_88 : memref<8192x128xf32, #tpu.memory_space<hbm>>) dst(%arg7 : memref<512x128xf32, #tpu.memory_space<vmem>>)
    "tpu.region"() ({
      %run_scoped3A = tpu.sem_alloc : memref<!tpu.dma_semaphore, #tpu.memory_space<semaphore_mem>>
      %dma_start3A_91 = arith.constant 0 : i32
      %dma_start3A_92 = tpu.memref_slice %arg4[%select_n3A_82, %select_n3A_66, %dma_start3A_91] : memref<4096x8x128xf32, #tpu.memory_space<hbm>> -> memref<512x1x128xf32, #tpu.memory_space<hbm>>
      %dma_start3A_93 = tpu.memref_squeeze %dma_start3A_92 : memref<512x1x128xf32, #tpu.memory_space<hbm>> -> memref<512x128xf32, #tpu.memory_space<hbm>>
      %dma_start3A_94 = arith.constant 0 : i32
      %dma_start3A_95 = tpu.memref_slice %arg4[%select_n3A_82, %select_n3A_66, %dma_start3A_94] : memref<4096x8x128xf32, #tpu.memory_space<hbm>> -> memref<512x1x128xf32, #tpu.memory_space<hbm>>
      %dma_start3A_96 = tpu.memref_squeeze %dma_start3A_95 : memref<512x1x128xf32, #tpu.memory_space<hbm>> -> memref<512x128xf32, #tpu.memory_space<hbm>>
      tpu.enqueue_dma source(%arg7 : memref<512x128xf32, #tpu.memory_space<vmem>>) target(%dma_start3A_96 : memref<512x128xf32, #tpu.memory_space<hbm>>) target_semaphore(%run_scoped3A : memref<!tpu.dma_semaphore, #tpu.memory_space<semaphore_mem>>)
      %dma_wait3A_97 = arith.constant 0 : i32
      %dma_wait3A_98 = tpu.memref_slice %arg4[%select_n3A_82, %select_n3A_66, %dma_wait3A_97] : memref<4096x8x128xf32, #tpu.memory_space<hbm>> -> memref<512x1x128xf32, #tpu.memory_space<hbm>>
      %dma_wait3A_99 = tpu.memref_squeeze %dma_wait3A_98 : memref<512x1x128xf32, #tpu.memory_space<hbm>> -> memref<512x128xf32, #tpu.memory_space<hbm>>
      %dma_wait3A_100 = arith.constant 0 : i32
      %dma_wait3A_101 = tpu.memref_slice %arg4[%select_n3A_82, %select_n3A_66, %dma_wait3A_100] : memref<4096x8x128xf32, #tpu.memory_space<hbm>> -> memref<512x1x128xf32, #tpu.memory_space<hbm>>
      %dma_wait3A_102 = tpu.memref_squeeze %dma_wait3A_101 : memref<512x1x128xf32, #tpu.memory_space<hbm>> -> memref<512x128xf32, #tpu.memory_space<hbm>>
      tpu.wait_dma2 semaphore(%run_scoped3A : memref<!tpu.dma_semaphore, #tpu.memory_space<semaphore_mem>>) src(%arg7 : memref<512x128xf32, #tpu.memory_space<vmem>>) dst(%dma_wait3A_102 : memref<512x128xf32, #tpu.memory_space<hbm>>)
      tpu.yield
    }) : () -> ()
    %mul3A_89 = arith.constant 128 : i32
    %mul3A_90 = arith.muli %select_n3A_66, %mul3A_89 : i32
    "tpu.region"() ({
      %run_scoped3A = tpu.sem_alloc : memref<!tpu.dma_semaphore, #tpu.memory_space<semaphore_mem>>
      %dma_start3A_91 = tpu.memref_slice %arg5[%select_n3A_82, %mul3A_90] : memref<4096x1024xf32, #tpu.memory_space<hbm>> -> memref<512x128xf32, #tpu.memory_space<hbm>>
      %dma_start3A_92 = tpu.memref_slice %arg5[%select_n3A_82, %mul3A_90] : memref<4096x1024xf32, #tpu.memory_space<hbm>> -> memref<512x128xf32, #tpu.memory_space<hbm>>
      tpu.enqueue_dma source(%arg7 : memref<512x128xf32, #tpu.memory_space<vmem>>) target(%dma_start3A_92 : memref<512x128xf32, #tpu.memory_space<hbm>>) target_semaphore(%run_scoped3A : memref<!tpu.dma_semaphore, #tpu.memory_space<semaphore_mem>>)
      %dma_wait3A_93 = tpu.memref_slice %arg5[%select_n3A_82, %mul3A_90] : memref<4096x1024xf32, #tpu.memory_space<hbm>> -> memref<512x128xf32, #tpu.memory_space<hbm>>
      %dma_wait3A_94 = tpu.memref_slice %arg5[%select_n3A_82, %mul3A_90] : memref<4096x1024xf32, #tpu.memory_space<hbm>> -> memref<512x128xf32, #tpu.memory_space<hbm>>
      tpu.wait_dma2 semaphore(%run_scoped3A : memref<!tpu.dma_semaphore, #tpu.memory_space<semaphore_mem>>) src(%arg7 : memref<512x128xf32, #tpu.memory_space<vmem>>) dst(%dma_wait3A_94 : memref<512x128xf32, #tpu.memory_space<hbm>>)
      tpu.yield
    }) : () -> ()
    return
  }
}

module attributes {stable_mosaic.version = 14 : i64} {
  func.func @_label_body(%arg0: i32, %arg1: memref<512x1024xf32, #tpu.memory_space<vmem>>, %arg2: memref<8x1024x128xf32, #tpu.memory_space<vmem>>, %arg3: memref<8x1024xf32, #tpu.memory_space<vmem>>, %arg4: memref<8x512xf32, #tpu.memory_space<vmem>>, %arg5: memref<8x512xi32, #tpu.memory_space<vmem>>) attributes {dimension_semantics = [#tpu.dimension_semantics<parallel>], iteration_bounds = array<i64: 8>, scalar_prefetch = 0 : i64, scratch_operands = 0 : i64, tpu.core_type = #tpu.core_type<tc>, window_params = [{transform_indices = @transform_0, window_bounds = array<i64: 512, 1024>}, {pipeline_mode = #tpu.pipeline_mode<synchronous>, transform_indices = @transform_1, window_bounds = array<i64: 8, 1024, 128>}, {pipeline_mode = #tpu.pipeline_mode<synchronous>, transform_indices = @transform_2, window_bounds = array<i64: 8, 1024>}, {transform_indices = @transform_3, window_bounds = array<i64: 8, 512>}, {transform_indices = @transform_4, window_bounds = array<i64: 8, 512>}]} {
    %get3A = arith.constant 0 : index
    %get3A_0 = arith.constant 0 : index
    %get3A_1 = vector.load %arg1[%get3A, %get3A_0] : memref<512x1024xf32, #tpu.memory_space<vmem>>, vector<512x128xf32>
    %get3A_2 = arith.constant 0 : index
    %get3A_3 = arith.constant 0 : index
    %get3A_4 = arith.constant 0 : index
    %get3A_5 = vector.load %arg2[%get3A_2, %get3A_3, %get3A_4] : memref<8x1024x128xf32, #tpu.memory_space<vmem>>, vector<1x1024x128xf32>
    %get3A_6 = vector.shape_cast %get3A_5 : vector<1x1024x128xf32> to vector<1024x128xf32>
    %dot_general3A = arith.constant dense<0.000000e+00> : vector<1024x512xf32>
    %dot_general3A_7 = tpu.matmul %get3A_6, %get3A_1, %dot_general3A {dimension_numbers = #tpu.dot_dimension_numbers<[1], [1], [0], [0], [0, 0, 1, 0], [], []>, transpose_lhs_hint = false} : vector<1024x128xf32>, vector<512x128xf32>, vector<1024x512xf32> -> vector<1024x512xf32>
    %get3A_8 = arith.constant 0 : index
    %get3A_9 = arith.constant 0 : index
    %get3A_10 = vector.load %arg3[%get3A_8, %get3A_9] : memref<8x1024xf32, #tpu.memory_space<vmem>>, vector<1x1024xf32>
    %get3A_11 = vector.shape_cast %get3A_10 : vector<1x1024xf32> to vector<1024xf32>
    %broadcast_in_dim3A = vector.shape_cast %get3A_11 : vector<1024xf32> to vector<1024x1xf32>
    %sub3A = vector.broadcast %broadcast_in_dim3A : vector<1024x1xf32> to vector<1024x512xf32>
    %sub3A_12 = arith.subf %sub3A, %dot_general3A_7 : vector<1024x512xf32>
    %get3A_13 = arith.constant 0 : index
    %get3A_14 = arith.constant 0 : index
    %get3A_15 = vector.load %arg4[%get3A_13, %get3A_14] : memref<8x512xf32, #tpu.memory_space<vmem>>, vector<1x512xf32>
    %get3A_16 = vector.shape_cast %get3A_15 : vector<1x512xf32> to vector<512xf32>
    %broadcast_in_dim3A_17 = vector.shape_cast %get3A_16 : vector<512xf32> to vector<1x512xf32>
    %add3A = vector.broadcast %broadcast_in_dim3A_17 : vector<1x512xf32> to vector<1024x512xf32>
    %add3A_18 = arith.addf %sub3A_12, %add3A : vector<1024x512xf32>
    %sqrt3A = math.sqrt %add3A_18 : vector<1024x512xf32>
    %bitcast_convert_type3A = tpu.bitcast %sqrt3A : vector<1024x512xf32> -> vector<1024x512xi32>
    %reduce_min3A = arith.constant dense<2147483647> : vector<512xi32>
    %reduce_min3A_19 = vector.multi_reduction <minsi>, %bitcast_convert_type3A, %reduce_min3A [0] : vector<1024x512xi32> to vector<512xi32>
    %broadcast_in_dim3A_20 = vector.shape_cast %reduce_min3A_19 : vector<512xi32> to vector<1x512xi32>
    %iota3A = tpu.iota {dimensions = array<i32: 0>} : vector<1024x512xi32>
    %eq3A = vector.broadcast %broadcast_in_dim3A_20 : vector<1x512xi32> to vector<1024x512xi32>
    %eq3A_21 = arith.cmpi eq, %bitcast_convert_type3A, %eq3A : vector<1024x512xi32>
    %jit3A = arith.constant 1024 : i32
    %broadcast_in_dim3A_22 = vector.broadcast %jit3A : i32 to vector<1024x512xi32>
    %select_n3A = arith.select %eq3A_21, %iota3A, %broadcast_in_dim3A_22 : vector<1024x512xi1>, vector<1024x512xi32>
    %reduce_min3A_23 = arith.constant dense<2147483647> : vector<512xi32>
    %reduce_min3A_24 = vector.multi_reduction <minsi>, %select_n3A, %reduce_min3A_23 [0] : vector<1024x512xi32> to vector<512xi32>
    %get3A_25 = arith.constant 0 : index
    %get3A_26 = arith.constant 128 : index
    %get3A_27 = vector.load %arg1[%get3A_25, %get3A_26] : memref<512x1024xf32, #tpu.memory_space<vmem>>, vector<512x128xf32>
    %get3A_28 = arith.constant 1 : index
    %get3A_29 = arith.constant 0 : index
    %get3A_30 = arith.constant 0 : index
    %get3A_31 = vector.load %arg2[%get3A_28, %get3A_29, %get3A_30] : memref<8x1024x128xf32, #tpu.memory_space<vmem>>, vector<1x1024x128xf32>
    %get3A_32 = vector.shape_cast %get3A_31 : vector<1x1024x128xf32> to vector<1024x128xf32>
    %dot_general3A_33 = arith.constant dense<0.000000e+00> : vector<1024x512xf32>
    %dot_general3A_34 = tpu.matmul %get3A_32, %get3A_27, %dot_general3A_33 {dimension_numbers = #tpu.dot_dimension_numbers<[1], [1], [0], [0], [0, 0, 1, 0], [], []>, transpose_lhs_hint = false} : vector<1024x128xf32>, vector<512x128xf32>, vector<1024x512xf32> -> vector<1024x512xf32>
    %get3A_35 = arith.constant 1 : index
    %get3A_36 = arith.constant 0 : index
    %get3A_37 = vector.load %arg3[%get3A_35, %get3A_36] : memref<8x1024xf32, #tpu.memory_space<vmem>>, vector<1x1024xf32>
    %get3A_38 = vector.shape_cast %get3A_37 : vector<1x1024xf32> to vector<1024xf32>
    %broadcast_in_dim3A_39 = vector.shape_cast %get3A_38 : vector<1024xf32> to vector<1024x1xf32>
    %sub3A_40 = vector.broadcast %broadcast_in_dim3A_39 : vector<1024x1xf32> to vector<1024x512xf32>
    %sub3A_41 = arith.subf %sub3A_40, %dot_general3A_34 : vector<1024x512xf32>
    %get3A_42 = arith.constant 1 : index
    %get3A_43 = arith.constant 0 : index
    %get3A_44 = vector.load %arg4[%get3A_42, %get3A_43] : memref<8x512xf32, #tpu.memory_space<vmem>>, vector<1x512xf32>
    %get3A_45 = vector.shape_cast %get3A_44 : vector<1x512xf32> to vector<512xf32>
    %broadcast_in_dim3A_46 = vector.shape_cast %get3A_45 : vector<512xf32> to vector<1x512xf32>
    %add3A_47 = vector.broadcast %broadcast_in_dim3A_46 : vector<1x512xf32> to vector<1024x512xf32>
    %add3A_48 = arith.addf %sub3A_41, %add3A_47 : vector<1024x512xf32>
    %sqrt3A_49 = math.sqrt %add3A_48 : vector<1024x512xf32>
    %bitcast_convert_type3A_50 = tpu.bitcast %sqrt3A_49 : vector<1024x512xf32> -> vector<1024x512xi32>
    %reduce_min3A_51 = arith.constant dense<2147483647> : vector<512xi32>
    %reduce_min3A_52 = vector.multi_reduction <minsi>, %bitcast_convert_type3A_50, %reduce_min3A_51 [0] : vector<1024x512xi32> to vector<512xi32>
    %broadcast_in_dim3A_53 = vector.shape_cast %reduce_min3A_52 : vector<512xi32> to vector<1x512xi32>
    %iota3A_54 = tpu.iota {dimensions = array<i32: 0>} : vector<1024x512xi32>
    %eq3A_55 = vector.broadcast %broadcast_in_dim3A_53 : vector<1x512xi32> to vector<1024x512xi32>
    %eq3A_56 = arith.cmpi eq, %bitcast_convert_type3A_50, %eq3A_55 : vector<1024x512xi32>
    %jit3A_57 = arith.constant 1024 : i32
    %broadcast_in_dim3A_58 = vector.broadcast %jit3A_57 : i32 to vector<1024x512xi32>
    %select_n3A_59 = arith.select %eq3A_56, %iota3A_54, %broadcast_in_dim3A_58 : vector<1024x512xi1>, vector<1024x512xi32>
    %reduce_min3A_60 = arith.constant dense<2147483647> : vector<512xi32>
    %reduce_min3A_61 = vector.multi_reduction <minsi>, %select_n3A_59, %reduce_min3A_60 [0] : vector<1024x512xi32> to vector<512xi32>
    %get3A_62 = arith.constant 0 : index
    %get3A_63 = arith.constant 256 : index
    %get3A_64 = vector.load %arg1[%get3A_62, %get3A_63] : memref<512x1024xf32, #tpu.memory_space<vmem>>, vector<512x128xf32>
    %get3A_65 = arith.constant 2 : index
    %get3A_66 = arith.constant 0 : index
    %get3A_67 = arith.constant 0 : index
    %get3A_68 = vector.load %arg2[%get3A_65, %get3A_66, %get3A_67] : memref<8x1024x128xf32, #tpu.memory_space<vmem>>, vector<1x1024x128xf32>
    %get3A_69 = vector.shape_cast %get3A_68 : vector<1x1024x128xf32> to vector<1024x128xf32>
    %dot_general3A_70 = arith.constant dense<0.000000e+00> : vector<1024x512xf32>
    %dot_general3A_71 = tpu.matmul %get3A_69, %get3A_64, %dot_general3A_70 {dimension_numbers = #tpu.dot_dimension_numbers<[1], [1], [0], [0], [0, 0, 1, 0], [], []>, transpose_lhs_hint = false} : vector<1024x128xf32>, vector<512x128xf32>, vector<1024x512xf32> -> vector<1024x512xf32>
    %get3A_72 = arith.constant 2 : index
    %get3A_73 = arith.constant 0 : index
    %get3A_74 = vector.load %arg3[%get3A_72, %get3A_73] : memref<8x1024xf32, #tpu.memory_space<vmem>>, vector<1x1024xf32>
    %get3A_75 = vector.shape_cast %get3A_74 : vector<1x1024xf32> to vector<1024xf32>
    %broadcast_in_dim3A_76 = vector.shape_cast %get3A_75 : vector<1024xf32> to vector<1024x1xf32>
    %sub3A_77 = vector.broadcast %broadcast_in_dim3A_76 : vector<1024x1xf32> to vector<1024x512xf32>
    %sub3A_78 = arith.subf %sub3A_77, %dot_general3A_71 : vector<1024x512xf32>
    %get3A_79 = arith.constant 2 : index
    %get3A_80 = arith.constant 0 : index
    %get3A_81 = vector.load %arg4[%get3A_79, %get3A_80] : memref<8x512xf32, #tpu.memory_space<vmem>>, vector<1x512xf32>
    %get3A_82 = vector.shape_cast %get3A_81 : vector<1x512xf32> to vector<512xf32>
    %broadcast_in_dim3A_83 = vector.shape_cast %get3A_82 : vector<512xf32> to vector<1x512xf32>
    %add3A_84 = vector.broadcast %broadcast_in_dim3A_83 : vector<1x512xf32> to vector<1024x512xf32>
    %add3A_85 = arith.addf %sub3A_78, %add3A_84 : vector<1024x512xf32>
    %sqrt3A_86 = math.sqrt %add3A_85 : vector<1024x512xf32>
    %bitcast_convert_type3A_87 = tpu.bitcast %sqrt3A_86 : vector<1024x512xf32> -> vector<1024x512xi32>
    %reduce_min3A_88 = arith.constant dense<2147483647> : vector<512xi32>
    %reduce_min3A_89 = vector.multi_reduction <minsi>, %bitcast_convert_type3A_87, %reduce_min3A_88 [0] : vector<1024x512xi32> to vector<512xi32>
    %broadcast_in_dim3A_90 = vector.shape_cast %reduce_min3A_89 : vector<512xi32> to vector<1x512xi32>
    %iota3A_91 = tpu.iota {dimensions = array<i32: 0>} : vector<1024x512xi32>
    %eq3A_92 = vector.broadcast %broadcast_in_dim3A_90 : vector<1x512xi32> to vector<1024x512xi32>
    %eq3A_93 = arith.cmpi eq, %bitcast_convert_type3A_87, %eq3A_92 : vector<1024x512xi32>
    %jit3A_94 = arith.constant 1024 : i32
    %broadcast_in_dim3A_95 = vector.broadcast %jit3A_94 : i32 to vector<1024x512xi32>
    %select_n3A_96 = arith.select %eq3A_93, %iota3A_91, %broadcast_in_dim3A_95 : vector<1024x512xi1>, vector<1024x512xi32>
    %reduce_min3A_97 = arith.constant dense<2147483647> : vector<512xi32>
    %reduce_min3A_98 = vector.multi_reduction <minsi>, %select_n3A_96, %reduce_min3A_97 [0] : vector<1024x512xi32> to vector<512xi32>
    %get3A_99 = arith.constant 0 : index
    %get3A_100 = arith.constant 384 : index
    %get3A_101 = vector.load %arg1[%get3A_99, %get3A_100] : memref<512x1024xf32, #tpu.memory_space<vmem>>, vector<512x128xf32>
    %get3A_102 = arith.constant 3 : index
    %get3A_103 = arith.constant 0 : index
    %get3A_104 = arith.constant 0 : index
    %get3A_105 = vector.load %arg2[%get3A_102, %get3A_103, %get3A_104] : memref<8x1024x128xf32, #tpu.memory_space<vmem>>, vector<1x1024x128xf32>
    %get3A_106 = vector.shape_cast %get3A_105 : vector<1x1024x128xf32> to vector<1024x128xf32>
    %dot_general3A_107 = arith.constant dense<0.000000e+00> : vector<1024x512xf32>
    %dot_general3A_108 = tpu.matmul %get3A_106, %get3A_101, %dot_general3A_107 {dimension_numbers = #tpu.dot_dimension_numbers<[1], [1], [0], [0], [0, 0, 1, 0], [], []>, transpose_lhs_hint = false} : vector<1024x128xf32>, vector<512x128xf32>, vector<1024x512xf32> -> vector<1024x512xf32>
    %get3A_109 = arith.constant 3 : index
    %get3A_110 = arith.constant 0 : index
    %get3A_111 = vector.load %arg3[%get3A_109, %get3A_110] : memref<8x1024xf32, #tpu.memory_space<vmem>>, vector<1x1024xf32>
    %get3A_112 = vector.shape_cast %get3A_111 : vector<1x1024xf32> to vector<1024xf32>
    %broadcast_in_dim3A_113 = vector.shape_cast %get3A_112 : vector<1024xf32> to vector<1024x1xf32>
    %sub3A_114 = vector.broadcast %broadcast_in_dim3A_113 : vector<1024x1xf32> to vector<1024x512xf32>
    %sub3A_115 = arith.subf %sub3A_114, %dot_general3A_108 : vector<1024x512xf32>
    %get3A_116 = arith.constant 3 : index
    %get3A_117 = arith.constant 0 : index
    %get3A_118 = vector.load %arg4[%get3A_116, %get3A_117] : memref<8x512xf32, #tpu.memory_space<vmem>>, vector<1x512xf32>
    %get3A_119 = vector.shape_cast %get3A_118 : vector<1x512xf32> to vector<512xf32>
    %broadcast_in_dim3A_120 = vector.shape_cast %get3A_119 : vector<512xf32> to vector<1x512xf32>
    %add3A_121 = vector.broadcast %broadcast_in_dim3A_120 : vector<1x512xf32> to vector<1024x512xf32>
    %add3A_122 = arith.addf %sub3A_115, %add3A_121 : vector<1024x512xf32>
    %sqrt3A_123 = math.sqrt %add3A_122 : vector<1024x512xf32>
    %bitcast_convert_type3A_124 = tpu.bitcast %sqrt3A_123 : vector<1024x512xf32> -> vector<1024x512xi32>
    %reduce_min3A_125 = arith.constant dense<2147483647> : vector<512xi32>
    %reduce_min3A_126 = vector.multi_reduction <minsi>, %bitcast_convert_type3A_124, %reduce_min3A_125 [0] : vector<1024x512xi32> to vector<512xi32>
    %broadcast_in_dim3A_127 = vector.shape_cast %reduce_min3A_126 : vector<512xi32> to vector<1x512xi32>
    %iota3A_128 = tpu.iota {dimensions = array<i32: 0>} : vector<1024x512xi32>
    %eq3A_129 = vector.broadcast %broadcast_in_dim3A_127 : vector<1x512xi32> to vector<1024x512xi32>
    %eq3A_130 = arith.cmpi eq, %bitcast_convert_type3A_124, %eq3A_129 : vector<1024x512xi32>
    %jit3A_131 = arith.constant 1024 : i32
    %broadcast_in_dim3A_132 = vector.broadcast %jit3A_131 : i32 to vector<1024x512xi32>
    %select_n3A_133 = arith.select %eq3A_130, %iota3A_128, %broadcast_in_dim3A_132 : vector<1024x512xi1>, vector<1024x512xi32>
    %reduce_min3A_134 = arith.constant dense<2147483647> : vector<512xi32>
    %reduce_min3A_135 = vector.multi_reduction <minsi>, %select_n3A_133, %reduce_min3A_134 [0] : vector<1024x512xi32> to vector<512xi32>
    %get3A_136 = arith.constant 0 : index
    %get3A_137 = arith.constant 512 : index
    %get3A_138 = vector.load %arg1[%get3A_136, %get3A_137] : memref<512x1024xf32, #tpu.memory_space<vmem>>, vector<512x128xf32>
    %get3A_139 = arith.constant 4 : index
    %get3A_140 = arith.constant 0 : index
    %get3A_141 = arith.constant 0 : index
    %get3A_142 = vector.load %arg2[%get3A_139, %get3A_140, %get3A_141] : memref<8x1024x128xf32, #tpu.memory_space<vmem>>, vector<1x1024x128xf32>
    %get3A_143 = vector.shape_cast %get3A_142 : vector<1x1024x128xf32> to vector<1024x128xf32>
    %dot_general3A_144 = arith.constant dense<0.000000e+00> : vector<1024x512xf32>
    %dot_general3A_145 = tpu.matmul %get3A_143, %get3A_138, %dot_general3A_144 {dimension_numbers = #tpu.dot_dimension_numbers<[1], [1], [0], [0], [0, 0, 1, 0], [], []>, transpose_lhs_hint = false} : vector<1024x128xf32>, vector<512x128xf32>, vector<1024x512xf32> -> vector<1024x512xf32>
    %get3A_146 = arith.constant 4 : index
    %get3A_147 = arith.constant 0 : index
    %get3A_148 = vector.load %arg3[%get3A_146, %get3A_147] : memref<8x1024xf32, #tpu.memory_space<vmem>>, vector<1x1024xf32>
    %get3A_149 = vector.shape_cast %get3A_148 : vector<1x1024xf32> to vector<1024xf32>
    %broadcast_in_dim3A_150 = vector.shape_cast %get3A_149 : vector<1024xf32> to vector<1024x1xf32>
    %sub3A_151 = vector.broadcast %broadcast_in_dim3A_150 : vector<1024x1xf32> to vector<1024x512xf32>
    %sub3A_152 = arith.subf %sub3A_151, %dot_general3A_145 : vector<1024x512xf32>
    %get3A_153 = arith.constant 4 : index
    %get3A_154 = arith.constant 0 : index
    %get3A_155 = vector.load %arg4[%get3A_153, %get3A_154] : memref<8x512xf32, #tpu.memory_space<vmem>>, vector<1x512xf32>
    %get3A_156 = vector.shape_cast %get3A_155 : vector<1x512xf32> to vector<512xf32>
    %broadcast_in_dim3A_157 = vector.shape_cast %get3A_156 : vector<512xf32> to vector<1x512xf32>
    %add3A_158 = vector.broadcast %broadcast_in_dim3A_157 : vector<1x512xf32> to vector<1024x512xf32>
    %add3A_159 = arith.addf %sub3A_152, %add3A_158 : vector<1024x512xf32>
    %sqrt3A_160 = math.sqrt %add3A_159 : vector<1024x512xf32>
    %bitcast_convert_type3A_161 = tpu.bitcast %sqrt3A_160 : vector<1024x512xf32> -> vector<1024x512xi32>
    %reduce_min3A_162 = arith.constant dense<2147483647> : vector<512xi32>
    %reduce_min3A_163 = vector.multi_reduction <minsi>, %bitcast_convert_type3A_161, %reduce_min3A_162 [0] : vector<1024x512xi32> to vector<512xi32>
    %broadcast_in_dim3A_164 = vector.shape_cast %reduce_min3A_163 : vector<512xi32> to vector<1x512xi32>
    %iota3A_165 = tpu.iota {dimensions = array<i32: 0>} : vector<1024x512xi32>
    %eq3A_166 = vector.broadcast %broadcast_in_dim3A_164 : vector<1x512xi32> to vector<1024x512xi32>
    %eq3A_167 = arith.cmpi eq, %bitcast_convert_type3A_161, %eq3A_166 : vector<1024x512xi32>
    %jit3A_168 = arith.constant 1024 : i32
    %broadcast_in_dim3A_169 = vector.broadcast %jit3A_168 : i32 to vector<1024x512xi32>
    %select_n3A_170 = arith.select %eq3A_167, %iota3A_165, %broadcast_in_dim3A_169 : vector<1024x512xi1>, vector<1024x512xi32>
    %reduce_min3A_171 = arith.constant dense<2147483647> : vector<512xi32>
    %reduce_min3A_172 = vector.multi_reduction <minsi>, %select_n3A_170, %reduce_min3A_171 [0] : vector<1024x512xi32> to vector<512xi32>
    %get3A_173 = arith.constant 0 : index
    %get3A_174 = arith.constant 640 : index
    %get3A_175 = vector.load %arg1[%get3A_173, %get3A_174] : memref<512x1024xf32, #tpu.memory_space<vmem>>, vector<512x128xf32>
    %get3A_176 = arith.constant 5 : index
    %get3A_177 = arith.constant 0 : index
    %get3A_178 = arith.constant 0 : index
    %get3A_179 = vector.load %arg2[%get3A_176, %get3A_177, %get3A_178] : memref<8x1024x128xf32, #tpu.memory_space<vmem>>, vector<1x1024x128xf32>
    %get3A_180 = vector.shape_cast %get3A_179 : vector<1x1024x128xf32> to vector<1024x128xf32>
    %dot_general3A_181 = arith.constant dense<0.000000e+00> : vector<1024x512xf32>
    %dot_general3A_182 = tpu.matmul %get3A_180, %get3A_175, %dot_general3A_181 {dimension_numbers = #tpu.dot_dimension_numbers<[1], [1], [0], [0], [0, 0, 1, 0], [], []>, transpose_lhs_hint = false} : vector<1024x128xf32>, vector<512x128xf32>, vector<1024x512xf32> -> vector<1024x512xf32>
    %get3A_183 = arith.constant 5 : index
    %get3A_184 = arith.constant 0 : index
    %get3A_185 = vector.load %arg3[%get3A_183, %get3A_184] : memref<8x1024xf32, #tpu.memory_space<vmem>>, vector<1x1024xf32>
    %get3A_186 = vector.shape_cast %get3A_185 : vector<1x1024xf32> to vector<1024xf32>
    %broadcast_in_dim3A_187 = vector.shape_cast %get3A_186 : vector<1024xf32> to vector<1024x1xf32>
    %sub3A_188 = vector.broadcast %broadcast_in_dim3A_187 : vector<1024x1xf32> to vector<1024x512xf32>
    %sub3A_189 = arith.subf %sub3A_188, %dot_general3A_182 : vector<1024x512xf32>
    %get3A_190 = arith.constant 5 : index
    %get3A_191 = arith.constant 0 : index
    %get3A_192 = vector.load %arg4[%get3A_190, %get3A_191] : memref<8x512xf32, #tpu.memory_space<vmem>>, vector<1x512xf32>
    %get3A_193 = vector.shape_cast %get3A_192 : vector<1x512xf32> to vector<512xf32>
    %broadcast_in_dim3A_194 = vector.shape_cast %get3A_193 : vector<512xf32> to vector<1x512xf32>
    %add3A_195 = vector.broadcast %broadcast_in_dim3A_194 : vector<1x512xf32> to vector<1024x512xf32>
    %add3A_196 = arith.addf %sub3A_189, %add3A_195 : vector<1024x512xf32>
    %sqrt3A_197 = math.sqrt %add3A_196 : vector<1024x512xf32>
    %bitcast_convert_type3A_198 = tpu.bitcast %sqrt3A_197 : vector<1024x512xf32> -> vector<1024x512xi32>
    %reduce_min3A_199 = arith.constant dense<2147483647> : vector<512xi32>
    %reduce_min3A_200 = vector.multi_reduction <minsi>, %bitcast_convert_type3A_198, %reduce_min3A_199 [0] : vector<1024x512xi32> to vector<512xi32>
    %broadcast_in_dim3A_201 = vector.shape_cast %reduce_min3A_200 : vector<512xi32> to vector<1x512xi32>
    %iota3A_202 = tpu.iota {dimensions = array<i32: 0>} : vector<1024x512xi32>
    %eq3A_203 = vector.broadcast %broadcast_in_dim3A_201 : vector<1x512xi32> to vector<1024x512xi32>
    %eq3A_204 = arith.cmpi eq, %bitcast_convert_type3A_198, %eq3A_203 : vector<1024x512xi32>
    %jit3A_205 = arith.constant 1024 : i32
    %broadcast_in_dim3A_206 = vector.broadcast %jit3A_205 : i32 to vector<1024x512xi32>
    %select_n3A_207 = arith.select %eq3A_204, %iota3A_202, %broadcast_in_dim3A_206 : vector<1024x512xi1>, vector<1024x512xi32>
    %reduce_min3A_208 = arith.constant dense<2147483647> : vector<512xi32>
    %reduce_min3A_209 = vector.multi_reduction <minsi>, %select_n3A_207, %reduce_min3A_208 [0] : vector<1024x512xi32> to vector<512xi32>
    %get3A_210 = arith.constant 0 : index
    %get3A_211 = arith.constant 768 : index
    %get3A_212 = vector.load %arg1[%get3A_210, %get3A_211] : memref<512x1024xf32, #tpu.memory_space<vmem>>, vector<512x128xf32>
    %get3A_213 = arith.constant 6 : index
    %get3A_214 = arith.constant 0 : index
    %get3A_215 = arith.constant 0 : index
    %get3A_216 = vector.load %arg2[%get3A_213, %get3A_214, %get3A_215] : memref<8x1024x128xf32, #tpu.memory_space<vmem>>, vector<1x1024x128xf32>
    %get3A_217 = vector.shape_cast %get3A_216 : vector<1x1024x128xf32> to vector<1024x128xf32>
    %dot_general3A_218 = arith.constant dense<0.000000e+00> : vector<1024x512xf32>
    %dot_general3A_219 = tpu.matmul %get3A_217, %get3A_212, %dot_general3A_218 {dimension_numbers = #tpu.dot_dimension_numbers<[1], [1], [0], [0], [0, 0, 1, 0], [], []>, transpose_lhs_hint = false} : vector<1024x128xf32>, vector<512x128xf32>, vector<1024x512xf32> -> vector<1024x512xf32>
    %get3A_220 = arith.constant 6 : index
    %get3A_221 = arith.constant 0 : index
    %get3A_222 = vector.load %arg3[%get3A_220, %get3A_221] : memref<8x1024xf32, #tpu.memory_space<vmem>>, vector<1x1024xf32>
    %get3A_223 = vector.shape_cast %get3A_222 : vector<1x1024xf32> to vector<1024xf32>
    %broadcast_in_dim3A_224 = vector.shape_cast %get3A_223 : vector<1024xf32> to vector<1024x1xf32>
    %sub3A_225 = vector.broadcast %broadcast_in_dim3A_224 : vector<1024x1xf32> to vector<1024x512xf32>
    %sub3A_226 = arith.subf %sub3A_225, %dot_general3A_219 : vector<1024x512xf32>
    %get3A_227 = arith.constant 6 : index
    %get3A_228 = arith.constant 0 : index
    %get3A_229 = vector.load %arg4[%get3A_227, %get3A_228] : memref<8x512xf32, #tpu.memory_space<vmem>>, vector<1x512xf32>
    %get3A_230 = vector.shape_cast %get3A_229 : vector<1x512xf32> to vector<512xf32>
    %broadcast_in_dim3A_231 = vector.shape_cast %get3A_230 : vector<512xf32> to vector<1x512xf32>
    %add3A_232 = vector.broadcast %broadcast_in_dim3A_231 : vector<1x512xf32> to vector<1024x512xf32>
    %add3A_233 = arith.addf %sub3A_226, %add3A_232 : vector<1024x512xf32>
    %sqrt3A_234 = math.sqrt %add3A_233 : vector<1024x512xf32>
    %bitcast_convert_type3A_235 = tpu.bitcast %sqrt3A_234 : vector<1024x512xf32> -> vector<1024x512xi32>
    %reduce_min3A_236 = arith.constant dense<2147483647> : vector<512xi32>
    %reduce_min3A_237 = vector.multi_reduction <minsi>, %bitcast_convert_type3A_235, %reduce_min3A_236 [0] : vector<1024x512xi32> to vector<512xi32>
    %broadcast_in_dim3A_238 = vector.shape_cast %reduce_min3A_237 : vector<512xi32> to vector<1x512xi32>
    %iota3A_239 = tpu.iota {dimensions = array<i32: 0>} : vector<1024x512xi32>
    %eq3A_240 = vector.broadcast %broadcast_in_dim3A_238 : vector<1x512xi32> to vector<1024x512xi32>
    %eq3A_241 = arith.cmpi eq, %bitcast_convert_type3A_235, %eq3A_240 : vector<1024x512xi32>
    %jit3A_242 = arith.constant 1024 : i32
    %broadcast_in_dim3A_243 = vector.broadcast %jit3A_242 : i32 to vector<1024x512xi32>
    %select_n3A_244 = arith.select %eq3A_241, %iota3A_239, %broadcast_in_dim3A_243 : vector<1024x512xi1>, vector<1024x512xi32>
    %reduce_min3A_245 = arith.constant dense<2147483647> : vector<512xi32>
    %reduce_min3A_246 = vector.multi_reduction <minsi>, %select_n3A_244, %reduce_min3A_245 [0] : vector<1024x512xi32> to vector<512xi32>
    %get3A_247 = arith.constant 0 : index
    %get3A_248 = arith.constant 896 : index
    %get3A_249 = vector.load %arg1[%get3A_247, %get3A_248] : memref<512x1024xf32, #tpu.memory_space<vmem>>, vector<512x128xf32>
    %get3A_250 = arith.constant 7 : index
    %get3A_251 = arith.constant 0 : index
    %get3A_252 = arith.constant 0 : index
    %get3A_253 = vector.load %arg2[%get3A_250, %get3A_251, %get3A_252] : memref<8x1024x128xf32, #tpu.memory_space<vmem>>, vector<1x1024x128xf32>
    %get3A_254 = vector.shape_cast %get3A_253 : vector<1x1024x128xf32> to vector<1024x128xf32>
    %dot_general3A_255 = arith.constant dense<0.000000e+00> : vector<1024x512xf32>
    %dot_general3A_256 = tpu.matmul %get3A_254, %get3A_249, %dot_general3A_255 {dimension_numbers = #tpu.dot_dimension_numbers<[1], [1], [0], [0], [0, 0, 1, 0], [], []>, transpose_lhs_hint = false} : vector<1024x128xf32>, vector<512x128xf32>, vector<1024x512xf32> -> vector<1024x512xf32>
    %get3A_257 = arith.constant 7 : index
    %get3A_258 = arith.constant 0 : index
    %get3A_259 = vector.load %arg3[%get3A_257, %get3A_258] : memref<8x1024xf32, #tpu.memory_space<vmem>>, vector<1x1024xf32>
    %get3A_260 = vector.shape_cast %get3A_259 : vector<1x1024xf32> to vector<1024xf32>
    %broadcast_in_dim3A_261 = vector.shape_cast %get3A_260 : vector<1024xf32> to vector<1024x1xf32>
    %sub3A_262 = vector.broadcast %broadcast_in_dim3A_261 : vector<1024x1xf32> to vector<1024x512xf32>
    %sub3A_263 = arith.subf %sub3A_262, %dot_general3A_256 : vector<1024x512xf32>
    %get3A_264 = arith.constant 7 : index
    %get3A_265 = arith.constant 0 : index
    %get3A_266 = vector.load %arg4[%get3A_264, %get3A_265] : memref<8x512xf32, #tpu.memory_space<vmem>>, vector<1x512xf32>
    %get3A_267 = vector.shape_cast %get3A_266 : vector<1x512xf32> to vector<512xf32>
    %broadcast_in_dim3A_268 = vector.shape_cast %get3A_267 : vector<512xf32> to vector<1x512xf32>
    %add3A_269 = vector.broadcast %broadcast_in_dim3A_268 : vector<1x512xf32> to vector<1024x512xf32>
    %add3A_270 = arith.addf %sub3A_263, %add3A_269 : vector<1024x512xf32>
    %sqrt3A_271 = math.sqrt %add3A_270 : vector<1024x512xf32>
    %bitcast_convert_type3A_272 = tpu.bitcast %sqrt3A_271 : vector<1024x512xf32> -> vector<1024x512xi32>
    %reduce_min3A_273 = arith.constant dense<2147483647> : vector<512xi32>
    %reduce_min3A_274 = vector.multi_reduction <minsi>, %bitcast_convert_type3A_272, %reduce_min3A_273 [0] : vector<1024x512xi32> to vector<512xi32>
    %broadcast_in_dim3A_275 = vector.shape_cast %reduce_min3A_274 : vector<512xi32> to vector<1x512xi32>
    %iota3A_276 = tpu.iota {dimensions = array<i32: 0>} : vector<1024x512xi32>
    %eq3A_277 = vector.broadcast %broadcast_in_dim3A_275 : vector<1x512xi32> to vector<1024x512xi32>
    %eq3A_278 = arith.cmpi eq, %bitcast_convert_type3A_272, %eq3A_277 : vector<1024x512xi32>
    %jit3A_279 = arith.constant 1024 : i32
    %broadcast_in_dim3A_280 = vector.broadcast %jit3A_279 : i32 to vector<1024x512xi32>
    %select_n3A_281 = arith.select %eq3A_278, %iota3A_276, %broadcast_in_dim3A_280 : vector<1024x512xi1>, vector<1024x512xi32>
    %reduce_min3A_282 = arith.constant dense<2147483647> : vector<512xi32>
    %reduce_min3A_283 = vector.multi_reduction <minsi>, %select_n3A_281, %reduce_min3A_282 [0] : vector<1024x512xi32> to vector<512xi32>
    %stack3A = vector.shape_cast %reduce_min3A_24 : vector<512xi32> to vector<1x512xi32>
    %stack3A_284 = vector.shape_cast %reduce_min3A_61 : vector<512xi32> to vector<1x512xi32>
    %stack3A_285 = vector.shape_cast %reduce_min3A_98 : vector<512xi32> to vector<1x512xi32>
    %stack3A_286 = vector.shape_cast %reduce_min3A_135 : vector<512xi32> to vector<1x512xi32>
    %stack3A_287 = vector.shape_cast %reduce_min3A_172 : vector<512xi32> to vector<1x512xi32>
    %stack3A_288 = vector.shape_cast %reduce_min3A_209 : vector<512xi32> to vector<1x512xi32>
    %stack3A_289 = vector.shape_cast %reduce_min3A_246 : vector<512xi32> to vector<1x512xi32>
    %stack3A_290 = vector.shape_cast %reduce_min3A_283 : vector<512xi32> to vector<1x512xi32>
    %stack3A_291 = tpu.concatenate %stack3A, %stack3A_284, %stack3A_285, %stack3A_286, %stack3A_287, %stack3A_288, %stack3A_289, %stack3A_290 in 0 : vector<1x512xi32>, vector<1x512xi32>, vector<1x512xi32>, vector<1x512xi32>, vector<1x512xi32>, vector<1x512xi32>, vector<1x512xi32>, vector<1x512xi32> -> vector<8x512xi32>
    %swap3A = arith.constant 0 : index
    %swap3A_292 = arith.constant 0 : index
    %swap3A_293 = vector.load %arg5[%swap3A, %swap3A_292] : memref<8x512xi32, #tpu.memory_space<vmem>>, vector<8x512xi32>
    tpu.vector_store %arg5[%swap3A, %swap3A_292], %stack3A_291 {strides = array<i32>} : memref<8x512xi32, #tpu.memory_space<vmem>>, vector<8x512xi32>,
    return
  }
  func.func @transform_0(%arg0: i32) -> (i32, i32) {
    %c0_i32 = arith.constant 0 : i32
    %c0_i32_0 = arith.constant 0 : i32
    return %arg0, %c0_i32 : i32, i32
  }
  func.func @transform_1(%arg0: i32) -> (i32, i32, i32) {
    %c0_i32 = arith.constant 0 : i32
    %c0_i32_0 = arith.constant 0 : i32
    %c0_i32_1 = arith.constant 0 : i32
    %c0_i32_2 = arith.constant 0 : i32
    return %c0_i32, %c0_i32_0, %c0_i32_1 : i32, i32, i32
  }
  func.func @transform_2(%arg0: i32) -> (i32, i32) {
    %c0_i32 = arith.constant 0 : i32
    %c0_i32_0 = arith.constant 0 : i32
    %c0_i32_1 = arith.constant 0 : i32
    return %c0_i32, %c0_i32_0 : i32, i32
  }
  func.func @transform_3(%arg0: i32) -> (i32, i32) {
    %c0_i32 = arith.constant 0 : i32
    %c0_i32_0 = arith.constant 0 : i32
    return %c0_i32, %arg0 : i32, i32
  }
  func.func @transform_4(%arg0: i32) -> (i32, i32) {
    %c0_i32 = arith.constant 0 : i32
    %c0_i32_0 = arith.constant 0 : i32
    return %c0_i32, %arg0 : i32, i32
  }
}

</mosaic_0001>

<sc_bundles>
// kernel: kernel.4.cloned.1.call-start
scs
__scs_entry_jumppad:
0x0: {  	(pc) =	sbr.rel $0x88, $3  }
0x1: {  	(tag) =	ssettag $0x0;
	lr =	simm.s32 $0x1  }
0x2: {  	[smem:$0x3F9E] =	sst lr;
	_ =	strace $0xD0000000  }
0x3: {  	_ = 	snop  }
0x4: {  	_ = 	snop  }
0x5: {  	_ = 	snop  }
0x6: {  	_ = 	snop  }
0x7: {  	_ = 	snop  }
__scs_overlays_trampoline_lowered:
0x8: {  	[smem:$0x3FAD] =	sst s0  }
0x9: {  	[smem:$0x3FAE] =	sst s1  }
0xa: {  	[smem:$0x3FAF] =	sst s2  }
0xb: {  	[smem:$0x3FB0] =	sst s3  }
0xc: {  	[smem:$0x3FB1] =	sst s4  }
0xd: {  	[smem:$0x3FB2] =	sst s5  }
0xe: {  	[smem:$0x3FB3] =	sst s6  }
0xf: {  	[smem:$0x3FB4] =	sst s7  }
0x10: {  	[smem:$0x3FB5] =	sst s8  }
0x11: {  	[smem:$0x3FB6] =	sst s9;
	s0 =	simm.s32 @!p0 $0x0  }
0x12: {  	s1 =	sld [smem:$0x3F9C];
	s0 =	simm.s32 @p0 $0x1  }
0x13: {  	[smem:$0x3FB7] =	sst s0;
	s0 =	simm.s32 @!p1 $0x0  }
0x14: {  	s2 =	sld [smem:$0x3F9B];
	s0 =	simm.s32 @p1 $0x1  }
0x15: {  	[smem:$0x3FB8] =	sst s0;
	s0 =	simm.s32 @!p2 $0x0  }
0x16: {  	s3 =	sld [smem:$0x3FDB];
	s0 =	simm.s32 @p2 $0x1  }
0x17: {  	s4 =	simm.s32 $0x1BF5;
	[smem:$0x3FBA] =	sst s0  }
0x18: {  	s0 =	sld [smem:$0x3F9D];
	_ =	swait.ge [sflag:s4], $0x0  }
0x19: {  	s7 =	sld [smem:$0x3F9E]  }
0x1a: {  	s8 =	sadd.s32 $0xFFFFE003, lr  }
0x1b: {  	s9 =	sadd.s32 $0xFFFFFEF7, lr;
	s5 =	simm.s32 $0xFFFFFFFF;
	p2 =	slt.u32 s8, $0xFFFFF086  }
0x1c: {  	p1 =	slt.u32 s9, $0xF7A;
	s5 =	simm.s32 @!p2 $0x0  }
0x1d: {  	s5 =	simm.s32 @p1 $0x1;
	p0 =	seq.s32 s7, s2  }
0x1e: {  	s7 =	smul.u32 @!p0 $0xF7A, s2;
	p2 =	seq.s32 @!p0 s5, $0x0  }
0x1f: {  	s9 =	smul.u32 $0xF7A, s1;
	s8 =	simm.s32 @!p0 $0x1BF5;
	p2 =	por !p2, p0  }
0x20: {  	[sflag:s8] =	ssyncset.s32 @!p0 $0xFFFFF086;
	s6 =	sadd.s32 @!p0 s3, s7;
	s7 =	simm.s32 @!p0 $0x108  }
0x21: {  	s3 =	sadd.s32 s3, s9;
	s6 =	sadd.s32 @!p0 $0x88, s6;
	s7 =	simm.s32 @p2 $0x1082  }
0x22: {  	[simem:s7], [sflag:s8] =	dma.local @!p0 [hbm:s6], $0xF7A  }
0x23: {  	s9 =	sor.u32 $0xD0000000, s2;
	s6 =	simm.s32 $0x108;
	_ =	swait.ge @!p0 [sflag:s8], $0x0  }
0x24: {  	s3 =	sadd.s32 $0x88, s3;
	s6 =	simm.s32 @!p1 $0x1082;
	[sflag:s4] =	ssyncset.s32 $0xFFFFF086  }
0x25: {  	[simem:s6], [sflag:s4] =	dma.local [hbm:s3], $0xF7A  }
0x26: {  	[smem:$0x3F9E] =	sst s1;
	(tag) =	ssettag s2;
	_ =	strace s9  }
0x27: {  	s1 =	sld [smem:$0x3FAE]  }
0x28: {  	s2 =	sld [smem:$0x3FAF]  }
0x29: {  	s4 =	sld [smem:$0x3FB1]  }
0x2a: {  	p0 =	seq.s32 s5, $0x0;
	s5 =	sld [smem:$0x3FB2]  }
0x2b: {  	s6 =	sld [smem:$0x3FB3]  }
0x2c: {  	s7 =	sld [smem:$0x3FB4]  }
0x2d: {  	s3 =	simm.s32 $0x108;
	s8 =	sld [smem:$0x3FB5]  }
0x2e: {  	s3 =	simm.s32 @!p0 $0x1082;
	s9 =	sld [smem:$0x3FB6]  }
0x2f: {  	lr =	sadd.s32 s0, s3;
	s0 =	sld [smem:$0x3FAD]  }
0x30: {  	s3 =	sld [smem:$0x3FB0]  }
0x31: {  	[smem:$0x3FB9] =	sst s10  }
0x32: {  	s10 =	sld [smem:$0x3FB7];
	_ =	sdelay $0x3  }
0x33: {  	p0 =	seq.s32 s10, $0x1;
	s10 =	sld [smem:$0x3FB9];
	_ =	sdelay $0x3  }
0x34: {  	[smem:$0x3FB9] =	sst s10  }
0x35: {  	s10 =	sld [smem:$0x3FB8];
	_ =	sdelay $0x3  }
0x36: {  	p1 =	seq.s32 s10, $0x1;
	s10 =	sld [smem:$0x3FB9];
	_ =	sdelay $0x3  }
0x37: {  	[smem:$0x3FB9] =	sst s10  }
0x38: {  	s10 =	sld [smem:$0x3FBA]  }
0x39: {  	_ = 	snop;
	(pc) =	sbr.ind lr, $3  }
0x3a: {  	_ = 	snop  }
0x3b: {  	_ = 	snop  }
0x3c: {  	p2 =	seq.s32 s10, $0x1;
	s10 =	sld [smem:$0x3FB9]  }
0x3d: {  	_ =	shalt  }
0x3e: {  	_ =	shalt  }
0x3f: {  	_ =	shalt  }
0x40: {  	_ =	shalt  }
0x41: {  	_ =	shalt  }
0x42: {  	_ =	shalt  }
0x43: {  	_ =	shalt  }
0x44: {  	_ =	shalt  }
0x45: {  	_ =	shalt  }
0x46: {  	_ =	shalt  }
0x47: {  	_ =	shalt  }
0x48: {  	_ =	shalt  }
0x49: {  	_ =	shalt  }
0x4a: {  	_ =	shalt  }
0x4b: {  	_ =	shalt  }
0x4c: {  	_ =	shalt  }
0x4d: {  	_ =	shalt  }
0x4e: {  	_ =	shalt  }
0x4f: {  	_ =	shalt  }
0x50: {  	_ =	shalt  }
0x51: {  	_ =	shalt  }
0x52: {  	_ =	shalt  }
0x53: {  	_ =	shalt  }
0x54: {  	_ =	shalt  }
0x55: {  	_ =	shalt  }
0x56: {  	_ =	shalt  }
0x57: {  	_ =	shalt  }
0x58: {  	_ =	shalt  }
0x59: {  	_ =	shalt  }
0x5a: {  	_ =	shalt  }
0x5b: {  	_ =	shalt  }
0x5c: {  	_ =	shalt  }
0x5d: {  	_ =	shalt  }
0x5e: {  	_ =	shalt  }
0x5f: {  	_ =	shalt  }
0x60: {  	_ =	shalt  }
0x61: {  	_ =	shalt  }
0x62: {  	_ =	shalt  }
0x63: {  	_ =	shalt  }
0x64: {  	_ =	shalt  }
0x65: {  	_ =	shalt  }
0x66: {  	_ =	shalt  }
0x67: {  	_ =	shalt  }
0x68: {  	_ =	shalt  }
0x69: {  	_ =	shalt  }
0x6a: {  	_ =	shalt  }
0x6b: {  	_ =	shalt  }
0x6c: {  	_ =	shalt  }
0x6d: {  	_ =	shalt  }
0x6e: {  	_ =	shalt  }
0x6f: {  	_ =	shalt  }
0x70: {  	_ =	shalt  }
0x71: {  	_ =	shalt  }
0x72: {  	_ =	shalt  }
0x73: {  	_ =	shalt  }
0x74: {  	_ =	shalt  }
0x75: {  	_ =	shalt  }
0x76: {  	_ =	shalt  }
0x77: {  	_ =	shalt  }
0x78: {  	_ =	shalt  }
0x79: {  	_ =	shalt  }
0x7a: {  	_ =	shalt  }
0x7b: {  	_ =	shalt  }
0x7c: {  	_ =	shalt  }
0x7d: {  	_ =	shalt  }
0x7e: {  	_ =	shalt  }
0x7f: {  	_ =	shalt  }
0x80: {  	_ =	shalt  }
0x81: {  	_ =	shalt  }
0x82: {  	_ =	shalt  }
0x83: {  	_ =	shalt  }
0x84: {  	_ =	shalt  }
0x85: {  	_ =	shalt  }
0x86: {  	_ =	shalt  }
0x87: {  	_ =	shalt  }
.Lfunc_end0:
.L_simem_size_0:
called_computation_lowered:
.L_overlay_start_0:
0x88: {  	s2 =	sld [smem:$0x3FD9]  }
0x89: {  	s3 =	sld [smem:$0x3FFE];
	_ =	sdelay $0x1  }
0x8a: {  	s1 =	srdreg.scid  }
0x8b: {  	s0 =	sand.u32 $0x1, s1  }
0x8c: {  	s15 =	sshll.u32 s0, $0xA;
	s2 =	sadd.s32 s3, s2  }
0x8d: {  	s2 =	sadd.s32 s2, s15  }
0x8e: {  	[smem:$0x3FC5] =	sst s2  }
0x8f: {  	_ = 	snop  }
0x90: {  	s2 =	sld [smem:$0x3FD0];
	_ =	sdelay $0x2  }
0x91: {  	s16 =	simm.s32 $0xA;
	s4 =	simm.s32 $0x10  }
0x92: {  	[smem:s4], [sflag:s16] =	dma.local [hbm:s2], $0x1  }
0x93: {  	_ =	swait.eq [sflag:s16], $0x1  }
0x94: {  	s17 =	sld [smem:$0x10]  }
0x95: {  	s18 =	sld [smem:$0x11];
	[sflag:s16] =	ssyncset.done $0x0  }
0x96: {  	s5 =	sld [smem:$0x12];
	[sflag:s16] =	ssyncadd.s32 $0xFFFFFFFF  }
0x97: {  	s19 =	sld [smem:$0x14];
	(tm) =	ssettm $0x1  }
0x98: {  	s6 =	sld [smem:$0x3FFB];
	_ =	sdelay $0x3  }
0x99: {  	_ =	strace s6  }
0x9a: {  	s6 =	sld [smem:$0x3FFC];
	_ =	sdelay $0x3  }
0x9b: {  	_ =	strace s6  }
0x9c: {  	s6 =	sld [smem:$0x3FFD];
	_ =	sdelay $0x3  }
0x9d: {  	_ =	strace s6  }
0x9e: {  	_ =	strace $0x8FFFFFFF  }
0x9f: {  	s20 =	sld [smem:$0x3FDB];
	_ =	sdelay $0x1  }
0xa0: {  	s7 =	simm.s32 $_scs_section_size  }
0xa1: {  	s8 =	simm.s32 $_size__tile_overlayer_lowered;
	s9 =	simm.s32 $_tile_overlayer_lowered  }
0xa2: {  	s23 =	simm.s32 $0x1BFF;
	s22 =	sshll.u32 s9, $0x1;
	s6 =	sadd.s32 s7, s20  }
0xa3: {  	s10 =	simm.s32 $0x0;
	s21 =	sshll.u32 s8, $0x1;
	s8 =	sadd.s32 s22, s6  }
0xa4: {  	[timem:s10], [sflag:s23] =	dma.local [hbm:s8], s21  }
0xa5: {  	_ =	swait.ge [sflag:s23], s21  }
0xa6: {  	s7 =	ssub.s32 $0x0, s21;
	[sflag:s23] =	ssyncset.done $0x0  }
0xa7: {  	[sflag:s23] =	ssyncadd.s32 s7;
	_ =	sdelay $0x1  }
0xa8: {  	s24 =	simm.s32 $0x1B8B  }
0xa9: {  	_ =	swait.ge [sflag:s24], $0x1  }
0xaa: {  	[sflag:s24] =	ssyncset.done $0x0  }
0xab: {  	s25 =	simm.s32 $0x1B8E;
	[sflag:s24] =	ssyncadd.s32 $0xFFFFFFFF  }
0xac: {  	s26 =	simm.s32 $execute0_lowered;
	[smem:$0x3FD2] =	sst s25  }
0xad: {  	s7 =	sshll.u32 s26, $0x1;
	_ =	strace $0x80000046;
	[dreg:$0x1] =	wrdreg $0xFFFFFFFF  }
0xae: {  	s28 =	simm.s32 $_size_execute0_lowered;
	s6 =	sadd.s32 s6, s7;
	[dreg:$0x0] =	wrdreg $0x0  }
0xaf: {  	s7 =	sshll.u32 s28, $0x1;
	[dreg:$0x2] =	wrdreg s6  }
0xb0: {  	[dreg:$0x3] =	wrdreg s7  }
0xb1: {  	[dreg:$0x4] =	wrdreg $0xC0  }
0xb2: {  	_ =	task [dreg:s10], $0x5FFFF  }
0xb3: {  	[dreg:$0x1] =	wrdreg $0xFFFFFFFF  }
0xb4: {  	[dreg:$0x0] =	wrdreg $0x60  }
0xb5: {  	[dreg:$0x2] =	wrdreg s5  }
0xb6: {  	[dreg:$0x3] =	wrdreg s19  }
0xb7: {  	[dreg:$0x4] =	wrdreg s17  }
0xb8: {  	[dreg:$0x5] =	wrdreg s18  }
0xb9: {  	[dreg:$0x6] =	wrdreg $0x9  }
0xba: {  	_ =	task.clear_ibuf [dreg:s10], $0x7FFFF;
	_ =	strace $0x90000046  }
0xbb: {  	s29 =	simm.s32 $0x9;
	_ =	strace $0x80000048  }
0xbc: {  	_ =	swait.ge [sflag:s29], $0x1  }
0xbd: {  	[sflag:s29] =	ssyncadd.s32 $0xFFFFFFFF  }
0xbe: {  	_ =	strace $0x90000048  }
0xbf: {  	_ =	sfence  }
0xc0: {  	s30 =	sld [smem:$0x0];
	_ =	sdelay $0x2  }
0xc1: {  	s31 =	sshll.u32 s1, $0xD;
	s1 =	sshrl.u32 s1, $0x2  }
0xc2: {  	s3 =	sand.u32 $0x4000, s31;
	s1 =	sadd.s32 s1, s30  }
0xc3: {  	s0 =	sor.u32 s3, s0;
	s1 =	sshll.u32 s1, $0x11  }
0xc4: {  	s0 =	sor.u32 s1, s0  }
0xc5: {  	s0 =	sadd.s32 $0x8F2B, s0  }
0xc6: {  	[sflag:s0] =	ssyncadd.remote.s32 $0x1  }
0xc7: {  	_ =	sfence.sel $0xFFFF  }
0xc8: {  	[dreg:$0x0] =	wrdreg $0xFFFFFFFF;
	(pc) =	sbr.abs _section_cstart, $3  }
0xc9: {  	[dreg:$0x1] =	wrdreg $0xFFFFFFFF  }
0xca: {  	_ =	task.clear_ibuf [dreg:s10], $0x2FFFF;
	_ =	strace $0x9FFFFFFF  }
0xcb: {  	(tm) =	ssettm $0x7FFFFFFF  }
tec
execute0_lowered:
.L_overlay_start_1:
0x0: {  	(tag) =	ssettag $0x1  }
0x1: {  	s1 =	rddreg [dreg:$0x0]  }
0x2: {  	s13 =	rddreg [dreg:$0x1];
	s2 =	srdreg.scid  }
0x3: {  	s8 =	rddreg [dreg:$0x2];
	s0 =	stileid.u32;
	s16 =	sand.u32 $0x1, s2  }
0x4: {  	s15 =	rddreg [dreg:$0x3];
	s4 =	sshll.u32 s0, $0xB;
	s5 =	sshll.u32 s16, $0xA  }
0x5: {  	s3 =	simm.s32 $0x0;
	s2 =	rddreg [dreg:$0x4];
	s14 =	sor.u32 s5, s4  }
0x6: {  	[smem:$0x7FF] =	sst s3;
	s4 =	sshrl.u32 s14, $0x3  }
0x7: {  	_ =	strace $0x80000047;
	s5 =	sadd.s32 s13, s4;
	s4 =	simm.s32 $0x2  }
0x8: {  	[tilespmem:s3], [sflag:$0x2] =	stream.linear.gather [hbm4b:s5+s3], $0x200, $0x38;
	[tilespmem:$0x10200] =	vst v63  }
0x9: {  	_ =	swait.ge [sflag:s4], $0x200  }
0xa: {  	s6 =	simm.s32 $0x200;
	s17 =	sshrl.u32 s0, $0x1;
	[sflag:s4] =	ssyncset.done $0x0  }
0xb: {  	s7 =	simm.s32 $0x1;
	s9 =	sshll.u32 s17, $0x4;
	[sflag:s4] =	ssyncadd.s32 $0xFFFFFE00  }
0xc: {  	[tilespmem:s6], [sflag:$0x1] =	stream.indirect.gather [hbm4b:s1+s6], $0x80, s3, s6, $0xb8;
	[tilespmem:$0x10200] =	vst v63  }
0xd: {  	s18 =	sadd.s32 s8, s9;
	s11 =	sand.u32 $0xC00, s14;
	_ =	swait.ge [sflag:s7], $0x10000  }
0xe: {  	s9 =	simm.s32 $0x80;
	s10 =	sshll.u32 s11, $0x7;
	[sflag:s7] =	ssyncset.done $0x0  }
0xf: {  	s8 =	sadd.s32 s10, s18;
	s10 =	simm.s32 $0x400;
	[sflag:s7] =	ssyncadd.s32 $0xFFFF0000  }
0x10: {  	[hbm4b:s8+s9] =	stream.strided.scatter [tilespmem:s6], [sflag:$0x2], $0x10000, s10, s9, $0x38;
	[tilespmem:$0x10200] =	vst v63  }
0x11: {  	s11 =	sor.u32 s17, s11;
	_ =	swait.ge [sflag:s4], $0x10000  }
0x12: {  	s11 =	sshll.u32 s11, $0x7;
	[sflag:s4] =	ssyncset.done $0x0  }
0x13: {  	s12 =	simm.s32 $0x2000;
	s11 =	sadd.s32 s15, s11;
	[sflag:s4] =	ssyncadd.s32 $0xFFFF0000  }
0x14: {  	[hbm4b:s11+s10] =	stream.strided.scatter [tilespmem:s6], [sflag:$0x2], $0x10000, s12, s10, $0x38;
	[tilespmem:$0x10200] =	vst v63  }
0x15: {  	s14 =	sor.u32 $0x200, s14;
	_ =	swait.ge [sflag:s4], $0x10000  }
0x16: {  	s19 =	sshrl.u32 s14, $0x3;
	[sflag:s4] =	ssyncset.done $0x0  }
0x17: {  	s13 =	sadd.s32 s13, s19;
	[sflag:s4] =	ssyncadd.s32 $0xFFFF0000  }
0x18: {  	[tilespmem:s3], [sflag:$0x2] =	stream.linear.gather [hbm4b:s13+s3], $0x200, $0x38;
	[tilespmem:$0x10200] =	vst v63  }
0x19: {  	_ =	swait.ge [sflag:s4], $0x200  }
0x1a: {  	[sflag:s4] =	ssyncset.done $0x0  }
0x1b: {  	s16 =	ssub.s32 $0x2, s16;
	[sflag:s4] =	ssyncadd.s32 $0xFFFFFE00  }
0x1c: {  	[tilespmem:s6], [sflag:$0x1] =	stream.indirect.gather [hbm4b:s1+s6], $0x80, s3, s6, $0xb8;
	[tilespmem:$0x10200] =	vst v63  }
0x1d: {  	s31 =	sshrl.u32 s16, $0x1;
	s30 =	sand.u32 $0xE00, s14;
	_ =	swait.ge [sflag:s7], $0x10000  }
0x1e: {  	s16 =	ssub.s32 s16, s31;
	s14 =	sshll.u32 s30, $0x7;
	[sflag:s7] =	ssyncset.done $0x0  }
0x1f: {  	s16 =	smax.u32 s16, $0x1;
	s14 =	sadd.s32 s14, s18;
	[sflag:s7] =	ssyncadd.s32 $0xFFFF0000  }
0x20: {  	[hbm4b:s14+s9] =	stream.strided.scatter [tilespmem:s6], [sflag:$0x2], $0x10000, s10, s9, $0x38;
	[tilespmem:$0x10200] =	vst v63  }
0x21: {  	s17 =	sor.u32 s17, s30;
	p0 =	sne.s32 s16, $0x1;
	_ =	swait.ge [sflag:s4], $0x10000  }
.Ltmp0:
0x22: {  	s17 =	sshll.u32 s17, $0x7;
	[sflag:s4] =	ssyncset.done $0x0;
	(pc) =	sbr.rel @!p0 .LBB2_2-.Ltmp0, $4  }
0x23: {  	s15 =	sadd.s32 s15, s17;
	[sflag:s4] =	ssyncadd.s32 $0xFFFF0000  }
0x24: {  	[hbm4b:s15+s10] =	stream.strided.scatter [tilespmem:s6], [sflag:$0x2], $0x10000, s12, s10, $0x38;
	[tilespmem:$0x10200] =	vst v63  }
0x25: {  	_ =	swait.ge [sflag:s4], $0x10000  }
0x26: {  	s16 =	sadd.s32 $0xFFFFFFFF, s16;
	[sflag:s4] =	ssyncset.done $0x0  }
.LBB2_1:
0x27: {  	p0 =	sne.s32 s16, $0x1;
	s16 =	sadd.s32 $0xFFFFFFFF, s16;
	[sflag:s4] =	ssyncadd.s32 $0xFFFF0000  }
0x28: {  	[tilespmem:s3], [sflag:$0x2] =	stream.linear.gather [hbm4b:s5+s3], $0x200, $0x38;
	[tilespmem:$0x10200] =	vst v63  }
0x29: {  	_ =	swait.ge [sflag:s4], $0x200  }
0x2a: {  	[sflag:s4] =	ssyncset.done $0x0  }
0x2b: {  	[sflag:s4] =	ssyncadd.s32 $0xFFFFFE00  }
0x2c: {  	[tilespmem:s6], [sflag:$0x1] =	stream.indirect.gather [hbm4b:s1+s6], $0x80, s3, s6, $0xb8;
	[tilespmem:$0x10200] =	vst v63  }
0x2d: {  	_ =	swait.ge [sflag:s7], $0x10000  }
0x2e: {  	[sflag:s7] =	ssyncset.done $0x0  }
0x2f: {  	[sflag:s7] =	ssyncadd.s32 $0xFFFF0000  }
0x30: {  	[hbm4b:s8+s9] =	stream.strided.scatter [tilespmem:s6], [sflag:$0x2], $0x10000, s10, s9, $0x38;
	[tilespmem:$0x10200] =	vst v63  }
0x31: {  	_ =	swait.ge [sflag:s4], $0x10000  }
0x32: {  	[sflag:s4] =	ssyncset.done $0x0  }
0x33: {  	[sflag:s4] =	ssyncadd.s32 $0xFFFF0000  }
0x34: {  	[hbm4b:s11+s10] =	stream.strided.scatter [tilespmem:s6], [sflag:$0x2], $0x10000, s12, s10, $0x38;
	[tilespmem:$0x10200] =	vst v63  }
0x35: {  	_ =	swait.ge [sflag:s4], $0x10000  }
0x36: {  	[sflag:s4] =	ssyncset.done $0x0  }
0x37: {  	[sflag:s4] =	ssyncadd.s32 $0xFFFF0000  }
0x38: {  	[tilespmem:s3], [sflag:$0x2] =	stream.linear.gather [hbm4b:s13+s3], $0x200, $0x38;
	[tilespmem:$0x10200] =	vst v63  }
0x39: {  	_ =	swait.ge [sflag:s4], $0x200  }
0x3a: {  	[sflag:s4] =	ssyncset.done $0x0  }
0x3b: {  	[sflag:s4] =	ssyncadd.s32 $0xFFFFFE00  }
0x3c: {  	[tilespmem:s6], [sflag:$0x1] =	stream.indirect.gather [hbm4b:s1+s6], $0x80, s3, s6, $0xb8;
	[tilespmem:$0x10200] =	vst v63  }
0x3d: {  	_ =	swait.ge [sflag:s7], $0x10000  }
0x3e: {  	[sflag:s7] =	ssyncset.done $0x0  }
0x3f: {  	[sflag:s7] =	ssyncadd.s32 $0xFFFF0000  }
0x40: {  	[hbm4b:s14+s9] =	stream.strided.scatter [tilespmem:s6], [sflag:$0x2], $0x10000, s10, s9, $0x38;
	[tilespmem:$0x10200] =	vst v63  }
0x41: {  	_ =	swait.ge [sflag:s4], $0x10000  }
.Ltmp1:
0x42: {  	[sflag:s4] =	ssyncset.done $0x0;
	(pc) =	sbr.rel @p0 .LBB2_1-.Ltmp1, $4  }
0x43: {  	[sflag:s4] =	ssyncadd.s32 $0xFFFF0000  }
0x44: {  	[hbm4b:s15+s10] =	stream.strided.scatter [tilespmem:s6], [sflag:$0x2], $0x10000, s12, s10, $0x38;
	[tilespmem:$0x10200] =	vst v63  }
0x45: {  	_ =	swait.ge [sflag:s4], $0x10000  }
0x46: {  	[sflag:s4] =	ssyncset.done $0x0  }
.LBB2_2:
0x47: {  	[sflag:s4] =	ssyncadd.s32 $0xFFFF0000  }
0x48: {  	_ =	sfence.sel $0x180000  }
0x49: {  	[bflag:$0x0] =	sbarrier.arrive $0xFFFF  }
0x4a: {  	p0 =	sne.s32 s0, $0x0;
	_ =	strace $0x90000047  }
0x4b: {  	s0 =	sadd.s32 @!p0 $0x100000, s2;
	[bflag:$0x2] =	sbarrier.arrive $0xFFFF  }
0x4c: {  	[sflag:s0] =	ssyncadd.tile.s32 @!p0 $0x1;
	_ =	shalt  }
.Lfunc_end2:
_tile_overlayer_lowered:
.L_overlay_start_2:
0x4d: {  	(tag) =	ssettag $0x2  }
0x4e: {  	s0 =	rddreg [dreg:$0x0];
	s2 =	stileid.u32  }
0x4f: {  	s1 =	rddreg [dreg:$0x1];
	p0 =	sne.s32 s2, $0x0  }
0x50: {  	s3 =	rddreg [dreg:$0x2];
	[bflag:$0x3] =	sbarrier.arrive $0xFFFF;
	s2 =	simm.s32 @!p0 $0x1C02  }
0x51: {  	[timem:s3], [sflag:s2] =	dma.local @!p0 [hbm:s0], s1  }
0x52: {  	s0 =	simm.s32 @!p0 $0x2  }
0x53: {  	_ =	swait.ge @!p0 [sflag:s0], s1  }
0x54: {  	s1 =	ssub.s32 @!p0 $0x0, s1;
	[sflag:s0] =	ssyncset.done @!p0 $0x0  }
0x55: {  	[sflag:s0] =	ssyncadd.s32 @!p0 s1  }
0x56: {  	[bflag:$0x3] =	sbarrier.arrive $0xFFFF  }
0x57: {  	_ =	shalt  }

</sc_bundles>
